<compile_context>
chip_gen: v7x
topology: tpu7x:2x2x1
jax: 0.10.2.dev20260603
libtpu: 0.0.44.dev20260713+nightly
codegen_flags: <defaults>
</compile_context>

<pallas_src>
import jax
import jax.numpy as jnp
from jax import lax
from jax.experimental import pallas as pl
from jax.experimental.pallas import tpu as pltpu

N_ROWS = 1000000
D = 16
B = 16384

_BLKC = 32768
_GRID = (N_ROWS + _BLKC - 1) // _BLKC


def _wt_body(wt_ref, out_ref):
    i = pl.program_id(0)
    w = wt_ref[...]
    col = lax.broadcasted_iota(jnp.int32, (D, _BLKC), 1) + i * _BLKC
    w = jnp.where(col < N_ROWS, w, 0.0)
    d = w - jnp.clip(w, 0.0, 1.0)
    s = jnp.sum(d * d)

    @pl.when(i == 0)
    def _():
        out_ref[0, 0] = s

    @pl.when(i != 0)
    def _():
        out_ref[0, 0] += s


def _pred_body(tar_ref, est_ref, out_ref):
    out_ref[0, 0] = -jnp.sum(tar_ref[...] * jnp.log(est_ref[...]))


def kernel(inp, tar, rules_lst, W):
    wt = pl.pallas_call(
        _wt_body,
        grid=(_GRID,),
        in_specs=[pl.BlockSpec((D, _BLKC), lambda i: (0, i))],
        out_specs=pl.BlockSpec(memory_space=pltpu.MemorySpace.SMEM),
        out_shape=jax.ShapeDtypeStruct((1, 1), jnp.float32),
    )(W.T)

    rows = jnp.take(W, rules_lst, axis=0)
    est = jax.nn.sigmoid(jnp.sum(inp * rows, axis=1))

    pred = pl.pallas_call(
        _pred_body,
        out_specs=pl.BlockSpec(memory_space=pltpu.MemorySpace.SMEM),
        out_shape=jax.ShapeDtypeStruct((1, 1), jnp.float32),
    )(tar.reshape(128, 128), est.reshape(128, 128))

    return est, pred[0, 0], wt[0, 0]

# --- scband reference (transcript-rebuilt; emitter-appended) ---
"""Pipeline reference for scband-rules-89361089561289 (READ-ONLY COPY).

The authoritative reference and input builder live on the scoring server;
editing this copy changes nothing except your own understanding.
"""

import jax, jax.numpy as jnp
import numpy as np

RULES_COUNT = 1000000
RULE_LEN = 16
BATCH = 16384


def setup_inputs(seed: int = 0) -> dict:
    key = jax.random.key(seed)
    k1, k2, k3 = jax.random.split(key, 3)
    inp = jax.random.normal(k1, (BATCH, RULE_LEN), dtype=jnp.float32)
    tar = jax.random.uniform(k2, (BATCH,), dtype=jnp.float32)
    rules_lst = jax.random.randint(k3, (BATCH,), 0, RULES_COUNT)
    # Embedding table is explicitly initialized to zeros in the torch module
    W = jnp.zeros((RULES_COUNT, RULE_LEN), dtype=jnp.float32)
    return {"inp": inp, "tar": tar, "rules_lst": rules_lst, "W": W}


def reference(inp, tar, rules_lst, W):
    # pred_mask_loss
    rules_t = jnp.take(W, rules_lst, axis=0)  # embedding gather [B, rule_len]
    est = jax.nn.sigmoid(jnp.sum(inp * rules_t, axis=1))  # [B]
    pred_loss = -jnp.sum(tar * jnp.log(est))
    # param_values_loss
    t1 = jnp.maximum(jnp.float32(0.0), -W)
    t2 = jnp.maximum(jnp.float32(0.0), W - jnp.float32(1.0))
    t3 = jnp.maximum(t1, t2)
    wt_loss = jnp.sum(t3 * t3)
    return (est, pred_loss, wt_loss)

if __name__ == "__main__":
    import jax
    _d = setup_inputs()
    print(jax.jit(kernel)(*tuple(_d.values())))

</pallas_src>

<mosaic_0001>
module attributes {stable_mosaic.version = 14 : i64} {
  func.func @_wt_body(%arg0: i32, %arg1: memref<16x32768xf32, #tpu.memory_space<vmem>>, %arg2: memref<1x1xf32, #tpu.memory_space<smem>>) attributes {dimension_semantics = [#tpu.dimension_semantics<arbitrary>], iteration_bounds = array<i64: 31>, scalar_prefetch = 0 : i64, scratch_operands = 0 : i64, tpu.core_type = #tpu.core_type<tc>, window_params = [{transform_indices = @transform_0, window_bounds = array<i64: 16, 32768>}, {transform_indices = @transform_1, window_bounds = array<i64: 1, 1>}]} {
    %get3A = arith.constant 0 : index
    %get3A_0 = arith.constant 0 : index
    %get3A_1 = vector.load %arg1[%get3A, %get3A_0] : memref<16x32768xf32, #tpu.memory_space<vmem>>, vector<16x32768xf32>
    %iota3A = tpu.iota {dimensions = array<i32: 1>} : vector<16x32768xi32>
    %mul3A = arith.constant 32768 : i32
    %mul3A_2 = arith.muli %arg0, %mul3A : i32
    %add3A = vector.broadcast %mul3A_2 : i32 to vector<16x32768xi32>
    %add3A_3 = arith.addi %iota3A, %add3A : vector<16x32768xi32>
    %lt3A = arith.constant 1000000 : i32
    %lt3A_4 = vector.broadcast %lt3A : i32 to vector<16x32768xi32>
    %lt3A_5 = arith.cmpi slt, %add3A_3, %lt3A_4 : vector<16x32768xi32>
    %jit3A = arith.constant 0.000000e+00 : f32
    %broadcast_in_dim3A = vector.broadcast %jit3A : f32 to vector<16x32768xf32>
    %select_n3A = arith.select %lt3A_5, %get3A_1, %broadcast_in_dim3A : vector<16x32768xi1>, vector<16x32768xf32>
    %jit3A_6 = arith.constant 0.000000e+00 : f32
    %jit3A_7 = arith.constant 1.000000e+00 : f32
    %max3A = vector.broadcast %jit3A_6 : f32 to vector<16x32768xf32>
    %max3A_8 = arith.maximumf %max3A, %select_n3A : vector<16x32768xf32>
    %min3A = vector.broadcast %jit3A_7 : f32 to vector<16x32768xf32>
    %min3A_9 = arith.minimumf %min3A, %max3A_8 : vector<16x32768xf32>
    %sub3A = arith.subf %select_n3A, %min3A_9 : vector<16x32768xf32>
    %mul3A_10 = arith.mulf %sub3A, %sub3A : vector<16x32768xf32>
    %reduce_sum3A = vector.shape_cast %mul3A_10 : vector<16x32768xf32> to vector<1x16x32768xf32>
    %reduce_sum3A_11 = arith.constant dense<0.000000e+00> : vector<1xf32>
    %reduce_sum3A_12 = vector.multi_reduction <add>, %reduce_sum3A, %reduce_sum3A_11 [1, 2] : vector<1x16x32768xf32> to vector<1xf32>
    %reduce_sum3A_13 = vector.shape_cast %reduce_sum3A_12 : vector<1xf32> to vector<1x1x1xf32>
    %reduce_sum3A_14 = vector.extract %reduce_sum3A_13[0, 0, 0] : f32 from vector<1x1x1xf32>
    %eq3A = arith.constant 0 : i32
    %eq3A_15 = arith.cmpi eq, %arg0, %eq3A : i32
    %convert_element_type3A = arith.extui %eq3A_15 : i1 to i32
    %cond3A = arith.constant 0 : i32
    %cond3A_16 = arith.cmpi ne, %convert_element_type3A, %cond3A : i32
    scf.if %cond3A_16 {
      %swap3A = arith.constant 0 : index
      %swap3A_21 = arith.constant 0 : index
      %swap3A_22 = memref.load %arg2[%swap3A, %swap3A_21] : memref<1x1xf32, #tpu.memory_space<smem>>
      memref.store %reduce_sum3A_14, %arg2[%swap3A, %swap3A_21] : memref<1x1xf32, #tpu.memory_space<smem>>
    } else {
    }
    %ne3A = arith.constant 0 : i32
    %ne3A_17 = arith.cmpi ne, %arg0, %ne3A : i32
    %convert_element_type3A_18 = arith.extui %ne3A_17 : i1 to i32
    %cond3A_19 = arith.constant 0 : i32
    %cond3A_20 = arith.cmpi ne, %convert_element_type3A_18, %cond3A_19 : i32
    scf.if %cond3A_20 {
      %get3A_21 = arith.constant 0 : index
      %get3A_22 = arith.constant 0 : index
      %get3A_23 = memref.load %arg2[%get3A_21, %get3A_22] : memref<1x1xf32, #tpu.memory_space<smem>>
      %add3A_24 = arith.addf %get3A_23, %reduce_sum3A_14 : f32
      %swap3A = arith.constant 0 : index
      %swap3A_25 = arith.constant 0 : index
      %swap3A_26 = memref.load %arg2[%swap3A, %swap3A_25] : memref<1x1xf32, #tpu.memory_space<smem>>
      memref.store %add3A_24, %arg2[%swap3A, %swap3A_25] : memref<1x1xf32, #tpu.memory_space<smem>>
    } else {
    }
    return
  }
  func.func @transform_0(%arg0: i32) -> (i32, i32) {
    %c0_i32 = arith.constant 0 : i32
    %c0_i32_0 = arith.constant 0 : i32
    return %c0_i32, %arg0 : i32, i32
  }
  func.func @transform_1(%arg0: i32) -> (i32, i32) {
    %c0_i32 = arith.constant 0 : i32
    %c0_i32_0 = arith.constant 0 : i32
    %c0_i32_1 = arith.constant 0 : i32
    return %c0_i32, %c0_i32_0 : i32, i32
  }
}

module attributes {stable_mosaic.version = 14 : i64} {
  func.func @_pred_body(%arg0: memref<128x128xf32, #tpu.memory_space<vmem>>, %arg1: memref<128x128xf32, #tpu.memory_space<vmem>>, %arg2: memref<1x1xf32, #tpu.memory_space<smem>>) attributes {dimension_semantics = [], scalar_prefetch = 0 : i64, scratch_operands = 0 : i64, tpu.core_type = #tpu.core_type<tc>} {
    %get3A = arith.constant 0 : index
    %get3A_0 = arith.constant 0 : index
    %get3A_1 = vector.load %arg0[%get3A, %get3A_0] : memref<128x128xf32, #tpu.memory_space<vmem>>, vector<128x128xf32>
    %get3A_2 = arith.constant 0 : index
    %get3A_3 = arith.constant 0 : index
    %get3A_4 = vector.load %arg1[%get3A_2, %get3A_3] : memref<128x128xf32, #tpu.memory_space<vmem>>, vector<128x128xf32>
    %log3A = math.log %get3A_4 : vector<128x128xf32>
    %mul3A = arith.mulf %get3A_1, %log3A : vector<128x128xf32>
    %reduce_sum3A = vector.shape_cast %mul3A : vector<128x128xf32> to vector<1x128x128xf32>
    %reduce_sum3A_5 = arith.constant dense<0.000000e+00> : vector<1xf32>
    %reduce_sum3A_6 = vector.multi_reduction <add>, %reduce_sum3A, %reduce_sum3A_5 [1, 2] : vector<1x128x128xf32> to vector<1xf32>
    %reduce_sum3A_7 = vector.shape_cast %reduce_sum3A_6 : vector<1xf32> to vector<1x1x1xf32>
    %reduce_sum3A_8 = vector.extract %reduce_sum3A_7[0, 0, 0] : f32 from vector<1x1x1xf32>
    %neg3A = arith.constant 0.000000e+00 : f32
    %neg3A_9 = arith.subf %neg3A, %reduce_sum3A_8 : f32
    %swap3A = arith.constant 0 : index
    %swap3A_10 = arith.constant 0 : index
    %swap3A_11 = memref.load %arg2[%swap3A, %swap3A_10] : memref<1x1xf32, #tpu.memory_space<smem>>
    memref.store %neg3A_9, %arg2[%swap3A, %swap3A_10] : memref<1x1xf32, #tpu.memory_space<smem>>
    return
  }
}

</mosaic_0001>

<sc_bundles>
// kernel: gather_offload_async_start
scs
__scs_entry_jumppad:
0x0: {  	(pc) =	sbr.rel $0x88, $3  }
0x1: {  	(tag) =	ssettag $0x0;
	lr =	simm.s32 $0x1  }
0x2: {  	[smem:$0x3F9D] =	sst lr;
	_ =	strace $0xD0000000  }
0x3: {  	_ = 	snop  }
0x4: {  	_ = 	snop  }
0x5: {  	_ = 	snop  }
0x6: {  	_ = 	snop  }
0x7: {  	_ = 	snop  }
__scs_overlays_trampoline_lowered:
0x8: {  	[smem:$0x3FAC] =	sst s0  }
0x9: {  	[smem:$0x3FAD] =	sst s1  }
0xa: {  	[smem:$0x3FAE] =	sst s2  }
0xb: {  	[smem:$0x3FAF] =	sst s3  }
0xc: {  	[smem:$0x3FB0] =	sst s4  }
0xd: {  	[smem:$0x3FB1] =	sst s5  }
0xe: {  	[smem:$0x3FB2] =	sst s6  }
0xf: {  	[smem:$0x3FB3] =	sst s7  }
0x10: {  	[smem:$0x3FB4] =	sst s8  }
0x11: {  	[smem:$0x3FB5] =	sst s9;
	s0 =	simm.s32 @!p0 $0x0  }
0x12: {  	s1 =	sld [smem:$0x3F9B];
	s0 =	simm.s32 @p0 $0x1  }
0x13: {  	[smem:$0x3FB6] =	sst s0;
	s0 =	simm.s32 @!p1 $0x0  }
0x14: {  	s2 =	sld [smem:$0x3F9A];
	s0 =	simm.s32 @p1 $0x1  }
0x15: {  	[smem:$0x3FB7] =	sst s0;
	s0 =	simm.s32 @!p2 $0x0  }
0x16: {  	s3 =	sld [smem:$0x3FDB];
	s0 =	simm.s32 @p2 $0x1  }
0x17: {  	s4 =	simm.s32 $0x1BF5;
	[smem:$0x3FB9] =	sst s0  }
0x18: {  	s0 =	sld [smem:$0x3F9C];
	_ =	swait.ge [sflag:s4], $0x0  }
0x19: {  	s7 =	sld [smem:$0x3F9D]  }
0x1a: {  	s8 =	sadd.s32 $0xFFFFE003, lr  }
0x1b: {  	s9 =	sadd.s32 $0xFFFFFEF7, lr;
	s5 =	simm.s32 $0xFFFFFFFF;
	p2 =	slt.u32 s8, $0xFFFFF086  }
0x1c: {  	p1 =	slt.u32 s9, $0xF7A;
	s5 =	simm.s32 @!p2 $0x0  }
0x1d: {  	s5 =	simm.s32 @p1 $0x1;
	p0 =	seq.s32 s7, s2  }
0x1e: {  	s7 =	smul.u32 @!p0 $0xF7A, s2;
	p2 =	seq.s32 @!p0 s5, $0x0  }
0x1f: {  	s9 =	smul.u32 $0xF7A, s1;
	s8 =	simm.s32 @!p0 $0x1BF5;
	p2 =	por !p2, p0  }
0x20: {  	[sflag:s8] =	ssyncset.s32 @!p0 $0xFFFFF086;
	s6 =	sadd.s32 @!p0 s3, s7;
	s7 =	simm.s32 @!p0 $0x108  }
0x21: {  	s3 =	sadd.s32 s3, s9;
	s6 =	sadd.s32 @!p0 $0x88, s6;
	s7 =	simm.s32 @p2 $0x1082  }
0x22: {  	[simem:s7], [sflag:s8] =	dma.local @!p0 [hbm:s6], $0xF7A  }
0x23: {  	s9 =	sor.u32 $0xD0000000, s2;
	s6 =	simm.s32 $0x108;
	_ =	swait.ge @!p0 [sflag:s8], $0x0  }
0x24: {  	s3 =	sadd.s32 $0x88, s3;
	s6 =	simm.s32 @!p1 $0x1082;
	[sflag:s4] =	ssyncset.s32 $0xFFFFF086  }
0x25: {  	[simem:s6], [sflag:s4] =	dma.local [hbm:s3], $0xF7A  }
0x26: {  	[smem:$0x3F9D] =	sst s1;
	(tag) =	ssettag s2;
	_ =	strace s9  }
0x27: {  	s1 =	sld [smem:$0x3FAD]  }
0x28: {  	s2 =	sld [smem:$0x3FAE]  }
0x29: {  	s4 =	sld [smem:$0x3FB0]  }
0x2a: {  	p0 =	seq.s32 s5, $0x0;
	s5 =	sld [smem:$0x3FB1]  }
0x2b: {  	s6 =	sld [smem:$0x3FB2]  }
0x2c: {  	s7 =	sld [smem:$0x3FB3]  }
0x2d: {  	s3 =	simm.s32 $0x108;
	s8 =	sld [smem:$0x3FB4]  }
0x2e: {  	s3 =	simm.s32 @!p0 $0x1082;
	s9 =	sld [smem:$0x3FB5]  }
0x2f: {  	lr =	sadd.s32 s0, s3;
	s0 =	sld [smem:$0x3FAC]  }
0x30: {  	s3 =	sld [smem:$0x3FAF]  }
0x31: {  	[smem:$0x3FB8] =	sst s10  }
0x32: {  	s10 =	sld [smem:$0x3FB6];
	_ =	sdelay $0x3  }
0x33: {  	p0 =	seq.s32 s10, $0x1;
	s10 =	sld [smem:$0x3FB8];
	_ =	sdelay $0x3  }
0x34: {  	[smem:$0x3FB8] =	sst s10  }
0x35: {  	s10 =	sld [smem:$0x3FB7];
	_ =	sdelay $0x3  }
0x36: {  	p1 =	seq.s32 s10, $0x1;
	s10 =	sld [smem:$0x3FB8];
	_ =	sdelay $0x3  }
0x37: {  	[smem:$0x3FB8] =	sst s10  }
0x38: {  	s10 =	sld [smem:$0x3FB9]  }
0x39: {  	_ = 	snop;
	(pc) =	sbr.ind lr, $3  }
0x3a: {  	_ = 	snop  }
0x3b: {  	_ = 	snop  }
0x3c: {  	p2 =	seq.s32 s10, $0x1;
	s10 =	sld [smem:$0x3FB8]  }
0x3d: {  	_ =	shalt  }
0x3e: {  	_ =	shalt  }
0x3f: {  	_ =	shalt  }
0x40: {  	_ =	shalt  }
0x41: {  	_ =	shalt  }
0x42: {  	_ =	shalt  }
0x43: {  	_ =	shalt  }
0x44: {  	_ =	shalt  }
0x45: {  	_ =	shalt  }
0x46: {  	_ =	shalt  }
0x47: {  	_ =	shalt  }
0x48: {  	_ =	shalt  }
0x49: {  	_ =	shalt  }
0x4a: {  	_ =	shalt  }
0x4b: {  	_ =	shalt  }
0x4c: {  	_ =	shalt  }
0x4d: {  	_ =	shalt  }
0x4e: {  	_ =	shalt  }
0x4f: {  	_ =	shalt  }
0x50: {  	_ =	shalt  }
0x51: {  	_ =	shalt  }
0x52: {  	_ =	shalt  }
0x53: {  	_ =	shalt  }
0x54: {  	_ =	shalt  }
0x55: {  	_ =	shalt  }
0x56: {  	_ =	shalt  }
0x57: {  	_ =	shalt  }
0x58: {  	_ =	shalt  }
0x59: {  	_ =	shalt  }
0x5a: {  	_ =	shalt  }
0x5b: {  	_ =	shalt  }
0x5c: {  	_ =	shalt  }
0x5d: {  	_ =	shalt  }
0x5e: {  	_ =	shalt  }
0x5f: {  	_ =	shalt  }
0x60: {  	_ =	shalt  }
0x61: {  	_ =	shalt  }
0x62: {  	_ =	shalt  }
0x63: {  	_ =	shalt  }
0x64: {  	_ =	shalt  }
0x65: {  	_ =	shalt  }
0x66: {  	_ =	shalt  }
0x67: {  	_ =	shalt  }
0x68: {  	_ =	shalt  }
0x69: {  	_ =	shalt  }
0x6a: {  	_ =	shalt  }
0x6b: {  	_ =	shalt  }
0x6c: {  	_ =	shalt  }
0x6d: {  	_ =	shalt  }
0x6e: {  	_ =	shalt  }
0x6f: {  	_ =	shalt  }
0x70: {  	_ =	shalt  }
0x71: {  	_ =	shalt  }
0x72: {  	_ =	shalt  }
0x73: {  	_ =	shalt  }
0x74: {  	_ =	shalt  }
0x75: {  	_ =	shalt  }
0x76: {  	_ =	shalt  }
0x77: {  	_ =	shalt  }
0x78: {  	_ =	shalt  }
0x79: {  	_ =	shalt  }
0x7a: {  	_ =	shalt  }
0x7b: {  	_ =	shalt  }
0x7c: {  	_ =	shalt  }
0x7d: {  	_ =	shalt  }
0x7e: {  	_ =	shalt  }
0x7f: {  	_ =	shalt  }
0x80: {  	_ =	shalt  }
0x81: {  	_ =	shalt  }
0x82: {  	_ =	shalt  }
0x83: {  	_ =	shalt  }
0x84: {  	_ =	shalt  }
0x85: {  	_ =	shalt  }
0x86: {  	_ =	shalt  }
0x87: {  	_ =	shalt  }
.Lfunc_end0:
.L_simem_size_0:
called_computation_lowered:
.L_overlay_start_0:
0x88: {  	s2 =	sld [smem:$0x3FD9]  }
0x89: {  	s3 =	sld [smem:$0x3FFE];
	_ =	sdelay $0x1  }
0x8a: {  	s1 =	srdreg.scid  }
0x8b: {  	s0 =	sand.u32 $0x1, s1  }
0x8c: {  	s14 =	sshll.u32 s0, $0xA;
	s2 =	sadd.s32 s3, s2  }
0x8d: {  	s2 =	sadd.s32 s2, s14  }
0x8e: {  	[smem:$0x3FC4] =	sst s2  }
0x8f: {  	_ = 	snop  }
0x90: {  	s2 =	sld [smem:$0x3FD0];
	_ =	sdelay $0x2  }
0x91: {  	s4 =	simm.s32 $0xA;
	s5 =	simm.s32 $0x10;
	s15 =	sld [smem:$0x3FC6]  }
0x92: {  	[smem:s5], [sflag:s4] =	dma.local [hbm:s2], $0x1  }
0x93: {  	_ =	swait.eq [sflag:s4], $0x1  }
0x94: {  	[sflag:s4] =	ssyncset.done $0x0  }
0x95: {  	[sflag:s4] =	ssyncadd.s32 $0xFFFFFFFF  }
0x96: {  	s16 =	sld [smem:$0x10];
	(tm) =	ssettm $0x1  }
0x97: {  	s17 =	sld [smem:$0x3FFB];
	_ =	sdelay $0x3  }
0x98: {  	_ =	strace s17  }
0x99: {  	s4 =	sld [smem:$0x3FFC];
	_ =	sdelay $0x3  }
0x9a: {  	_ =	strace s4  }
0x9b: {  	s4 =	sld [smem:$0x3FFD];
	_ =	sdelay $0x3  }
0x9c: {  	_ =	strace s4  }
0x9d: {  	_ =	strace $0x8FFFFFFF  }
0x9e: {  	s18 =	sld [smem:$0x3FDB];
	_ =	sdelay $0x1  }
0x9f: {  	s19 =	simm.s32 $_scs_section_size  }
0xa0: {  	s6 =	simm.s32 $_size__tile_overlayer_lowered;
	s7 =	simm.s32 $_tile_overlayer_lowered  }
0xa1: {  	s22 =	simm.s32 $0x1BFF;
	s21 =	sshll.u32 s7, $0x1;
	s4 =	sadd.s32 s19, s18  }
0xa2: {  	s8 =	simm.s32 $0x0;
	s20 =	sshll.u32 s6, $0x1;
	s6 =	sadd.s32 s21, s4  }
0xa3: {  	[timem:s8], [sflag:s22] =	dma.local [hbm:s6], s20  }
0xa4: {  	_ =	swait.ge [sflag:s22], s20  }
0xa5: {  	s5 =	ssub.s32 $0x0, s20;
	[sflag:s22] =	ssyncset.done $0x0  }
0xa6: {  	[sflag:s22] =	ssyncadd.s32 s5;
	_ =	sdelay $0x1  }
0xa7: {  	s23 =	simm.s32 $0x1B8B  }
0xa8: {  	_ =	swait.ge [sflag:s23], $0x1  }
0xa9: {  	[sflag:s23] =	ssyncset.done $0x0  }
0xaa: {  	s25 =	simm.s32 $0x1B8E;
	s24 =	sld [smem:$0x3FFE];
	[sflag:s23] =	ssyncadd.s32 $0xFFFFFFFF  }
0xab: {  	s26 =	simm.s32 $execute0_lowered;
	[smem:$0x3FD2] =	sst s25  }
0xac: {  	s6 =	sshll.u32 s26, $0x1;
	_ =	strace $0x80000046;
	[dreg:$0x1] =	wrdreg $0xFFFFFFFF  }
0xad: {  	s28 =	simm.s32 $_size_execute0_lowered;
	s4 =	sadd.s32 s4, s6;
	[dreg:$0x0] =	wrdreg $0x0  }
0xae: {  	s6 =	sshll.u32 s28, $0x1;
	[dreg:$0x2] =	wrdreg s4  }
0xaf: {  	[dreg:$0x3] =	wrdreg s6  }
0xb0: {  	[dreg:$0x4] =	wrdreg $0xC0  }
0xb1: {  	_ =	task [dreg:s8], $0x5FFFF  }
0xb2: {  	[dreg:$0x1] =	wrdreg $0xFFFFFFFF  }
0xb3: {  	[dreg:$0x0] =	wrdreg $0x60  }
0xb4: {  	[dreg:$0x2] =	wrdreg s15  }
0xb5: {  	[dreg:$0x3] =	wrdreg s16  }
0xb6: {  	[dreg:$0x4] =	wrdreg s24  }
0xb7: {  	[dreg:$0x5] =	wrdreg $0x9  }
0xb8: {  	_ =	task.clear_ibuf [dreg:s8], $0x6FFFF;
	_ =	strace $0x90000046  }
0xb9: {  	s29 =	simm.s32 $0x9;
	_ =	strace $0x80000048  }
0xba: {  	_ =	swait.ge [sflag:s29], $0x1  }
0xbb: {  	[sflag:s29] =	ssyncadd.s32 $0xFFFFFFFF  }
0xbc: {  	_ =	strace $0x90000048  }
0xbd: {  	_ =	sfence  }
0xbe: {  	s30 =	sld [smem:$0x0];
	_ =	sdelay $0x2  }
0xbf: {  	s31 =	sshll.u32 s1, $0xD;
	s1 =	sshrl.u32 s1, $0x2  }
0xc0: {  	s3 =	sand.u32 $0x4000, s31;
	s1 =	sadd.s32 s1, s30  }
0xc1: {  	s0 =	sor.u32 s3, s0;
	s1 =	sshll.u32 s1, $0x11  }
0xc2: {  	s0 =	sor.u32 s1, s0  }
0xc3: {  	s0 =	sadd.s32 $0x8F2B, s0  }
0xc4: {  	[sflag:s0] =	ssyncadd.remote.s32 $0x1  }
0xc5: {  	_ =	sfence.sel $0xFFFF  }
0xc6: {  	[dreg:$0x0] =	wrdreg $0xFFFFFFFF;
	(pc) =	sbr.abs _section_cstart, $3  }
0xc7: {  	[dreg:$0x1] =	wrdreg $0xFFFFFFFF  }
0xc8: {  	_ =	task.clear_ibuf [dreg:s8], $0x2FFFF;
	_ =	strace $0x9FFFFFFF  }
0xc9: {  	(tm) =	ssettm $0x7FFFFFFF  }
tec
execute0_lowered:
.L_overlay_start_1:
0x0: {  	(tag) =	ssettag $0x1  }
0x1: {  	s2 =	rddreg [dreg:$0x0]  }
0x2: {  	s8 =	rddreg [dreg:$0x1]  }
0x3: {  	s0 =	srdreg.scid;
	s9 =	rddreg [dreg:$0x2]  }
0x4: {  	s1 =	stileid.u32;
	s11 =	simm.s32 $0x3;
	s13 =	simm.s32 $0x0  }
0x5: {  	s3 =	sshll.u32 s0, $0x9;
	s0 =	rddreg [dreg:$0x3];
	s4 =	sshll.u32 s1, $0xA  }
0x6: {  	_ =	strace $0x80000047;
	s6 =	sadd.s32 $0x600, s9;
	s5 =	sand.u32 $0x200, s3  }
0x7: {  	s9 =	sadd.s32 $0x4600, s9;
	s3 =	simm.s32 $0x1;
	s4 =	sor.u32 s4, s5  }
0x8: {  	[sflag:s3] =	ssyncpa.u1 $0x0;
	s5 =	simm.s32 $0x2;
	s7 =	ssub.s32 $0x4000, s4  }
.Ltmp0:
0x9: {  	[sflag:s5] =	ssyncpa.u1 $0x0;
	s10 =	sand.u32 $0x3E00, s7;
	(pc) =	sbr.rel .LBB2_1-.Ltmp0, $4  }
0xa: {  	s12 =	sshrl.u32 s4, $0x3;
	p0 =	sne.s32 s10, $0x0;
	s10 =	simm.s32 $0x1  }
0xb: {  	s7 =	sshrl.u32 s7, $0xE;
	[sflag:s11] =	ssyncpa.u1 $0x0;
	s10 =	simm.s32 @!p0 $0x0  }
0xc: {  	s8 =	sadd.s32 s8, s12;
	s11 =	simm.s32 $0x0;
	s7 =	sadd.s32 s10, s7  }
0xd: {  	vm0 =	vmmov $0xffff;
	s12 =	simm.s32 $0x0;
	p0 =	por $0x0, $0x0;
	s10 =	sadd.s32 $0x1, s7  }
.LBB2_4:
0xe: {  	_ =	sdelay $0x3  }
0xf: {  	[tilespmem:s19], [sflag:$0x1] =	stream.indirect_vreg.gather [hbm4b:s2+s11], $0x1, v0, vm0, $0x4038;
	[tilespmem:$0x4400] =	vst v63  }
0x10: {  	s16 =	sshll.u32 s13, $0x3  }
0x11: {  	s30 =	sand.u32 $0x78, s13;
	s16 =	sand.u32 $0x7FFFFC00, s16  }
0x12: {  	_ =	swait.ge [sflag:s3], $0x2000;
	s13 =	sor.u32 s30, s16  }
0x13: {  	[sflag:s3] =	ssyncset.done $0x0;
	s13 =	sshrl.u32 s13, $0x3  }
0x14: {  	[sflag:s3] =	ssyncadd.s32 $0xFFFFE000;
	s31 =	sadd.s32 s6, s13  }
0x15: {  	[hbm:s31] =	stream.linear.scatter [tilespmem:s15], [sflag:$0x3], $0x1000, $0x38;
	[tilespmem:$0x4400] =	vst v63  }
0x16: {  	s14 =	sadd.s32 $0x1400, s14;
	s13 =	sadd.s32 s13, s9  }
0x17: {  	[hbm:s13] =	stream.linear.scatter [tilespmem:s14], [sflag:$0x3], $0x1000, $0x38;
	[tilespmem:$0x4400] =	vst v63  }
.LBB2_5:
0x18: {  	p2 =	sne.s32 s12, s10  }
.Ltmp1:
0x19: {  	p1 =	slt.u32 s12, $0x2;
	(pc) =	sbr.rel @!p2 .LBB2_6-.Ltmp1, $4  }
0x1a: {  	s13 =	simm.s32 @!p1 $0x3  }
0x1b: {  	_ =	swait.ge @!p1 [sflag:s13], $0x2000  }
0x1c: {  	s14 =	sadd.s32 $0x1, s12;
	p0 =	por !p0, !p0;
	[sflag:s13] =	ssyncset.done @!p1 $0x0  }
0x1d: {  	s12 =	smov.u32 s14;
	[sflag:s13] =	ssyncadd.s32 @!p1 $0xFFFFE000;
	s13 =	smov.u32 s4  }
.LBB2_1:
0x1e: {  	p1 =	sge.u32 s12, s7  }
0x1f: {  	s14 =	sxor.u32 @!p1 $0xFFFFFFFF, s12  }
0x20: {  	s14 =	sshll.u32 @!p1 s14, $0x9  }
0x21: {  	s31 =	sadd.s32 $0xFFFFFFFF, s12;
	s15 =	simm.s32 @!p1 $0x0;
	s14 =	sand.u32 @!p1 $0x200, s14  }
0x22: {  	[tilespmem:s14], [sflag:$0x2] =	stream.linear.gather @!p1 [hbm4b:s8+s15], $0x200, $0x38;
	[tilespmem:$0x4400] =	vst v63  }
0x23: {  	p1 =	sge.u32 s31, s7  }
.Ltmp2:
0x24: {  	_ = 	snop;
	(pc) =	sbr.rel @p1 .LBB2_5-.Ltmp2, $1  }
0x25: {  	_ =	sdelay $0x3  }
0x26: {  	s14 =	simm.s32 $0x1;
	_ =	swait.ge [sflag:s5], $0x200  }
0x27: {  	s14 =	simm.s32 @!p0 $0x0;
	[sflag:s5] =	ssyncset.done $0x0  }
0x28: {  	s17 =	sshll.u32 s14, $0x9;
	[sflag:s5] =	ssyncadd.s32 $0xFFFFFE00  }
0x29: {  	v0 =	vld.msk [tilespmem:s17+$0x0 ss:$0x1], $0xffff;
	_ =	sdelay $0x4  }
0x2a: {  	vm1 =	vgt.s32 v0, $0x0  }
0x2b: {  	v0 =	vnsel vm1, $0x0, v0  }
0x2c: {  	v0 =	vmin.u32 v0, $0xF423F  }
0x2d: {  	v1 =	vshll.u32 v0, $0x3  }
0x2e: {  	v0 =	vand.u32 $0x7F, v0;
	v1 =	vand.u32 $0x7FFC00, v1  }
0x2f: {  	s30 =	sshll.u32 s12, $0xD;
	v0 =	vor.u32 v0, v1  }
0x30: {  	s16 =	simm.s32 $0x0;
	s14 =	sand.u32 $0x2000, s30  }
0x31: {  	s18 =	sand.u32 $0xC00, s16;
	s15 =	sor.u32 $0x400, s14  }
0x32: {  	s19 =	sand.u32 $0x70, s16;
	(ifvalue) =	ssetifvalue $0x7FFFFFFF;
	s18 =	sadd.s32 s18, s15;
	v1 =	vor.u32 $0x80, v0  }
0x33: {  	(ifvalue) =	ssetifvalue $0x7FFFFFFF;
	s18 =	sadd.s32 s19, s18  }
0x34: {  	[tilespmem:s18], [sflag:$0x1] =	stream.indirect_vreg.gather [hbm4b:s2+s11], $0x1, v0, vm0, $0x4038;
	[tilespmem:$0x4400] =	vst v63  }
0x35: {  	v2 =	vor.u32 $0x100, v0;
	(ifvalue) =	ssetifvalue $0x7FFFFFFF  }
0x36: {  	s19 =	sadd.s32 $0x80, s18;
	(ifvalue) =	ssetifvalue $0x7FFFFFFF  }
0x37: {  	[tilespmem:s19], [sflag:$0x1] =	stream.indirect_vreg.gather [hbm4b:s2+s11], $0x1, v1, vm0, $0x4038;
	[tilespmem:$0x4400] =	vst v63  }
0x38: {  	v1 =	vor.u32 $0x180, v0;
	(ifvalue) =	ssetifvalue $0x7FFFFFFF  }
0x39: {  	s31 =	sadd.s32 $0x100, s18;
	(ifvalue) =	ssetifvalue $0x7FFFFFFF  }
0x3a: {  	[tilespmem:s31], [sflag:$0x1] =	stream.indirect_vreg.gather [hbm4b:s2+s11], $0x1, v2, vm0, $0x4038;
	[tilespmem:$0x4400] =	vst v63  }
0x3b: {  	v2 =	vor.u32 $0x200, v0;
	(ifvalue) =	ssetifvalue $0x7FFFFFFF  }
0x3c: {  	s20 =	sadd.s32 $0x180, s18;
	(ifvalue) =	ssetifvalue $0x7FFFFFFF  }
0x3d: {  	[tilespmem:s20], [sflag:$0x1] =	stream.indirect_vreg.gather [hbm4b:s2+s11], $0x1, v1, vm0, $0x4038;
	[tilespmem:$0x4400] =	vst v63  }
0x3e: {  	(ifvalue) =	ssetifvalue $0x7FFFFFFF;
	v1 =	vor.u32 $0x280, v0  }
0x3f: {  	s21 =	sadd.s32 $0x200, s18;
	(ifvalue) =	ssetifvalue $0x7FFFFFFF  }
0x40: {  	[tilespmem:s21], [sflag:$0x1] =	stream.indirect_vreg.gather [hbm4b:s2+s11], $0x1, v2, vm0, $0x4038;
	[tilespmem:$0x4400] =	vst v63  }
0x41: {  	(ifvalue) =	ssetifvalue $0x7FFFFFFF;
	v2 =	vor.u32 $0x300, v0  }
0x42: {  	s22 =	sadd.s32 $0x280, s18;
	(ifvalue) =	ssetifvalue $0x7FFFFFFF  }
0x43: {  	[tilespmem:s22], [sflag:$0x1] =	stream.indirect_vreg.gather [hbm4b:s2+s11], $0x1, v1, vm0, $0x4038;
	[tilespmem:$0x4400] =	vst v63  }
0x44: {  	(ifvalue) =	ssetifvalue $0x7FFFFFFF;
	v1 =	vor.u32 $0x380, v0  }
0x45: {  	s16 =	sor.u32 s16, s16;
	s23 =	sadd.s32 $0x300, s18;
	(ifvalue) =	ssetifvalue $0x7FFFFFFF  }
0x46: {  	[tilespmem:s23], [sflag:$0x1] =	stream.indirect_vreg.gather [hbm4b:s2+s11], $0x1, v2, vm0, $0x4038;
	[tilespmem:$0x4400] =	vst v63  }
0x47: {  	s16 =	sor.u32 $0x380, s16;
	(ifvalue) =	ssetifvalue $0x7FFFFFFF;
	v2 =	vadd.s32 $0x7A1400, v0  }
0x48: {  	s16 =	sadd.s32 s16, s15;
	(ifvalue) =	ssetifvalue $0x7FFFFFFF  }
0x49: {  	[tilespmem:s16], [sflag:$0x1] =	stream.indirect_vreg.gather [hbm4b:s2+s11], $0x1, v1, vm0, $0x4038;
	[tilespmem:$0x4400] =	vst v63  }
0x4a: {  	(ifvalue) =	ssetifvalue $0x7FFFFFFF;
	v1 =	vadd.s32 $0x7A1480, v0  }
0x4b: {  	s24 =	sadd.s32 $0x1000, s18;
	(ifvalue) =	ssetifvalue $0x7FFFFFFF  }
0x4c: {  	[tilespmem:s24], [sflag:$0x1] =	stream.indirect_vreg.gather [hbm4b:s2+s11], $0x1, v2, vm0, $0x4038;
	[tilespmem:$0x4400] =	vst v63  }
0x4d: {  	(ifvalue) =	ssetifvalue $0x7FFFFFFF;
	v2 =	vadd.s32 $0x7A1500, v0  }
0x4e: {  	s25 =	sadd.s32 $0x1080, s18;
	(ifvalue) =	ssetifvalue $0x7FFFFFFF  }
0x4f: {  	[tilespmem:s25], [sflag:$0x1] =	stream.indirect_vreg.gather [hbm4b:s2+s11], $0x1, v1, vm0, $0x4038;
	[tilespmem:$0x4400] =	vst v63  }
0x50: {  	(ifvalue) =	ssetifvalue $0x7FFFFFFF;
	v1 =	vadd.s32 $0x7A1580, v0  }
0x51: {  	s26 =	sadd.s32 $0x1100, s18;
	(ifvalue) =	ssetifvalue $0x7FFFFFFF  }
0x52: {  	[tilespmem:s26], [sflag:$0x1] =	stream.indirect_vreg.gather [hbm4b:s2+s11], $0x1, v2, vm0, $0x4038;
	[tilespmem:$0x4400] =	vst v63  }
0x53: {  	(ifvalue) =	ssetifvalue $0x7FFFFFFF;
	v2 =	vadd.s32 $0x7A1600, v0  }
0x54: {  	s28 =	sadd.s32 $0x1180, s18;
	(ifvalue) =	ssetifvalue $0x7FFFFFFF  }
0x55: {  	[tilespmem:s28], [sflag:$0x1] =	stream.indirect_vreg.gather [hbm4b:s2+s11], $0x1, v1, vm0, $0x4038;
	[tilespmem:$0x4400] =	vst v63  }
0x56: {  	(ifvalue) =	ssetifvalue $0x7FFFFFFF;
	v1 =	vadd.s32 $0x7A1680, v0  }
0x57: {  	s29 =	sadd.s32 $0x1200, s18;
	(ifvalue) =	ssetifvalue $0x7FFFFFFF  }
0x58: {  	[tilespmem:s29], [sflag:$0x1] =	stream.indirect_vreg.gather [hbm4b:s2+s11], $0x1, v2, vm0, $0x4038;
	[tilespmem:$0x4400] =	vst v63  }
0x59: {  	(ifvalue) =	ssetifvalue $0x7FFFFFFF;
	v2 =	vadd.s32 $0x7A1700, v0  }
0x5a: {  	s30 =	sadd.s32 $0x1280, s18;
	(ifvalue) =	ssetifvalue $0x7FFFFFFF  }
0x5b: {  	[tilespmem:s30], [sflag:$0x1] =	stream.indirect_vreg.gather [hbm4b:s2+s11], $0x1, v1, vm0, $0x4038;
	[tilespmem:$0x4400] =	vst v63  }
0x5c: {  	v0 =	vadd.s32 $0x7A1780, v0;
	(ifvalue) =	ssetifvalue $0x7FFFFFFF  }
0x5d: {  	s31 =	sadd.s32 $0x1300, s18;
	(ifvalue) =	ssetifvalue $0x7FFFFFFF  }
0x5e: {  	[tilespmem:s31], [sflag:$0x1] =	stream.indirect_vreg.gather [hbm4b:s2+s11], $0x1, v2, vm0, $0x4038;
	[tilespmem:$0x4400] =	vst v63  }
0x5f: {  	s17 =	sadd.s32 $0x10, s17;
	s19 =	sadd.s32 $0x1380, s18;
	(ifvalue) =	ssetifvalue $0x7FFFFFFF  }
0x60: {  	s18 =	simm.s32 $0x80;
	s16 =	simm.s32 $0x10;
	(ifvalue) =	ssetifvalue $0x7FFFFFFF  }
.LBB2_3:
0x61: {  	[tilespmem:s19], [sflag:$0x1] =	stream.indirect_vreg.gather [hbm4b:s2+s11], $0x1, v0, vm0, $0x4038;
	[tilespmem:$0x4400] =	vst v63  }
0x62: {  	p1 =	sne.s32 s16, $0x1F0;
	s20 =	smov.u32 s16;
	s16 =	sadd.s32 $0x10, s16;
	v0 =	vld.msk [tilespmem:s17+$0x0 ss:$0x1], $0xffff  }
0x63: {  	(ifvalue) =	ssetifvalue $0x7FFFFFFF;
	_ =	sdelay $0x4  }
0x64: {  	vm1 =	vgt.s32 v0, $0x0  }
0x65: {  	v0 =	vnsel vm1, $0x0, v0  }
0x66: {  	v0 =	vmin.u32 v0, $0xF423F  }
0x67: {  	v1 =	vshll.u32 v0, $0x3  }
0x68: {  	v0 =	vand.u32 $0x7F, v0;
	v1 =	vand.u32 $0x7FFC00, v1  }
0x69: {  	v0 =	vor.u32 v0, v1;
	_ =	sdelay $0x1  }
0x6a: {  	s19 =	sand.u32 $0xC00, s18  }
0x6b: {  	s21 =	sand.u32 $0x70, s20;
	s19 =	sadd.s32 s19, s15;
	v1 =	vor.u32 $0x80, v0  }
0x6c: {  	s19 =	sadd.s32 s21, s19;
	(ifvalue) =	ssetifvalue $0x7FFFFFFF  }
0x6d: {  	[tilespmem:s19], [sflag:$0x1] =	stream.indirect_vreg.gather [hbm4b:s2+s11], $0x1, v0, vm0, $0x4038;
	[tilespmem:$0x4400] =	vst v63  }
0x6e: {  	v2 =	vor.u32 $0x100, v0;
	(ifvalue) =	ssetifvalue $0x7FFFFFFF  }
0x6f: {  	s21 =	sadd.s32 $0x80, s19;
	(ifvalue) =	ssetifvalue $0x7FFFFFFF  }
0x70: {  	[tilespmem:s21], [sflag:$0x1] =	stream.indirect_vreg.gather [hbm4b:s2+s11], $0x1, v1, vm0, $0x4038;
	[tilespmem:$0x4400] =	vst v63  }
0x71: {  	v1 =	vor.u32 $0x180, v0;
	(ifvalue) =	ssetifvalue $0x7FFFFFFF  }
0x72: {  	s21 =	sadd.s32 $0x100, s19;
	(ifvalue) =	ssetifvalue $0x7FFFFFFF  }
0x73: {  	[tilespmem:s21], [sflag:$0x1] =	stream.indirect_vreg.gather [hbm4b:s2+s11], $0x1, v2, vm0, $0x4038;
	[tilespmem:$0x4400] =	vst v63  }
0x74: {  	v2 =	vor.u32 $0x200, v0;
	(ifvalue) =	ssetifvalue $0x7FFFFFFF  }
0x75: {  	s21 =	sadd.s32 $0x180, s19;
	(ifvalue) =	ssetifvalue $0x7FFFFFFF  }
0x76: {  	[tilespmem:s21], [sflag:$0x1] =	stream.indirect_vreg.gather [hbm4b:s2+s11], $0x1, v1, vm0, $0x4038;
	[tilespmem:$0x4400] =	vst v63  }
0x77: {  	v1 =	vor.u32 $0x280, v0;
	(ifvalue) =	ssetifvalue $0x7FFFFFFF  }
0x78: {  	s21 =	sadd.s32 $0x200, s19;
	(ifvalue) =	ssetifvalue $0x7FFFFFFF  }
0x79: {  	[tilespmem:s21], [sflag:$0x1] =	stream.indirect_vreg.gather [hbm4b:s2+s11], $0x1, v2, vm0, $0x4038;
	[tilespmem:$0x4400] =	vst v63  }
0x7a: {  	v2 =	vor.u32 $0x300, v0;
	(ifvalue) =	ssetifvalue $0x7FFFFFFF  }
0x7b: {  	s21 =	sadd.s32 $0x280, s19;
	(ifvalue) =	ssetifvalue $0x7FFFFFFF  }
0x7c: {  	[tilespmem:s21], [sflag:$0x1] =	stream.indirect_vreg.gather [hbm4b:s2+s11], $0x1, v1, vm0, $0x4038;
	[tilespmem:$0x4400] =	vst v63  }
0x7d: {  	v1 =	vor.u32 $0x380, v0;
	(ifvalue) =	ssetifvalue $0x7FFFFFFF  }
0x7e: {  	s20 =	sor.u32 s18, s20;
	s21 =	sadd.s32 $0x300, s19;
	(ifvalue) =	ssetifvalue $0x7FFFFFFF  }
0x7f: {  	[tilespmem:s21], [sflag:$0x1] =	stream.indirect_vreg.gather [hbm4b:s2+s11], $0x1, v2, vm0, $0x4038;
	[tilespmem:$0x4400] =	vst v63  }
0x80: {  	s20 =	sor.u32 $0x380, s20;
	v2 =	vadd.s32 $0x7A1400, v0;
	(ifvalue) =	ssetifvalue $0x7FFFFFFF  }
0x81: {  	s20 =	sadd.s32 s20, s15;
	(ifvalue) =	ssetifvalue $0x7FFFFFFF  }
0x82: {  	[tilespmem:s20], [sflag:$0x1] =	stream.indirect_vreg.gather [hbm4b:s2+s11], $0x1, v1, vm0, $0x4038;
	[tilespmem:$0x4400] =	vst v63  }
0x83: {  	v1 =	vadd.s32 $0x7A1480, v0;
	(ifvalue) =	ssetifvalue $0x7FFFFFFF  }
0x84: {  	s20 =	sadd.s32 $0x1000, s19;
	(ifvalue) =	ssetifvalue $0x7FFFFFFF  }
0x85: {  	[tilespmem:s20], [sflag:$0x1] =	stream.indirect_vreg.gather [hbm4b:s2+s11], $0x1, v2, vm0, $0x4038;
	[tilespmem:$0x4400] =	vst v63  }
0x86: {  	v2 =	vadd.s32 $0x7A1500, v0;
	(ifvalue) =	ssetifvalue $0x7FFFFFFF  }
0x87: {  	s20 =	sadd.s32 $0x1080, s19;
	(ifvalue) =	ssetifvalue $0x7FFFFFFF  }
0x88: {  	[tilespmem:s20], [sflag:$0x1] =	stream.indirect_vreg.gather [hbm4b:s2+s11], $0x1, v1, vm0, $0x4038;
	[tilespmem:$0x4400] =	vst v63  }
0x89: {  	v1 =	vadd.s32 $0x7A1580, v0;
	(ifvalue) =	ssetifvalue $0x7FFFFFFF  }
0x8a: {  	s20 =	sadd.s32 $0x1100, s19;
	(ifvalue) =	ssetifvalue $0x7FFFFFFF  }
0x8b: {  	[tilespmem:s20], [sflag:$0x1] =	stream.indirect_vreg.gather [hbm4b:s2+s11], $0x1, v2, vm0, $0x4038;
	[tilespmem:$0x4400] =	vst v63  }
0x8c: {  	v2 =	vadd.s32 $0x7A1600, v0;
	(ifvalue) =	ssetifvalue $0x7FFFFFFF  }
0x8d: {  	s20 =	sadd.s32 $0x1180, s19;
	(ifvalue) =	ssetifvalue $0x7FFFFFFF  }
0x8e: {  	[tilespmem:s20], [sflag:$0x1] =	stream.indirect_vreg.gather [hbm4b:s2+s11], $0x1, v1, vm0, $0x4038;
	[tilespmem:$0x4400] =	vst v63  }
0x8f: {  	v1 =	vadd.s32 $0x7A1680, v0;
	(ifvalue) =	ssetifvalue $0x7FFFFFFF  }
0x90: {  	s20 =	sadd.s32 $0x1200, s19;
	(ifvalue) =	ssetifvalue $0x7FFFFFFF  }
0x91: {  	[tilespmem:s20], [sflag:$0x1] =	stream.indirect_vreg.gather [hbm4b:s2+s11], $0x1, v2, vm0, $0x4038;
	[tilespmem:$0x4400] =	vst v63  }
0x92: {  	v2 =	vadd.s32 $0x7A1700, v0;
	(ifvalue) =	ssetifvalue $0x7FFFFFFF  }
0x93: {  	s20 =	sadd.s32 $0x1280, s19;
	(ifvalue) =	ssetifvalue $0x7FFFFFFF  }
0x94: {  	[tilespmem:s20], [sflag:$0x1] =	stream.indirect_vreg.gather [hbm4b:s2+s11], $0x1, v1, vm0, $0x4038;
	[tilespmem:$0x4400] =	vst v63  }
.Ltmp3:
0x95: {  	v0 =	vadd.s32 $0x7A1780, v0;
	(ifvalue) =	ssetifvalue $0x7FFFFFFF;
	(pc) =	sbr.rel @p1 .LBB2_3-.Ltmp3, $4  }
0x96: {  	s20 =	sadd.s32 $0x1300, s19;
	(ifvalue) =	ssetifvalue $0x7FFFFFFF  }
0x97: {  	[tilespmem:s20], [sflag:$0x1] =	stream.indirect_vreg.gather [hbm4b:s2+s11], $0x1, v2, vm0, $0x4038;
	[tilespmem:$0x4400] =	vst v63  }
0x98: {  	s17 =	sadd.s32 $0x10, s17;
	(ifvalue) =	ssetifvalue $0x7FFFFFFF  }
0x99: {  	s18 =	sadd.s32 $0x80, s18;
	s19 =	sadd.s32 $0x1380, s19;
	(ifvalue) =	ssetifvalue $0x7FFFFFFF  }
.Ltmp4:
0x9a: {  	_ = 	snop;
	(pc) =	sbr.rel .LBB2_4-.Ltmp4, $1  }
0x9b: {  	_ =	sdelay $0x3  }
.LBB2_6:
0x9c: {  	_ =	sfence.sel $0x180000  }
0x9d: {  	s2 =	simm.s32 $0x2;
	[bflag:$0x0] =	sbarrier.arrive $0xFFFF  }
0x9e: {  	s30 =	simm.s32 $0x3;
	[sflag:s2] =	ssyncpa.u1 $0x1  }
0x9f: {  	s31 =	simm.s32 $0x1;
	[sflag:s30] =	ssyncpa.u1 $0x1  }
0xa0: {  	[sflag:s31] =	ssyncpa.u1 $0x1  }
0xa1: {  	p0 =	sne.s32 s1, $0x0;
	_ =	strace $0x90000047  }
0xa2: {  	s0 =	sadd.s32 @!p0 $0x100000, s0;
	[bflag:$0x2] =	sbarrier.arrive $0xFFFF  }
0xa3: {  	[sflag:s0] =	ssyncadd.tile.s32 @!p0 $0x1;
	_ =	shalt  }
.Lfunc_end2:
_tile_overlayer_lowered:
.L_overlay_start_2:
0xa4: {  	(tag) =	ssettag $0x2  }
0xa5: {  	s0 =	rddreg [dreg:$0x0];
	s2 =	stileid.u32  }
0xa6: {  	s1 =	rddreg [dreg:$0x1];
	p0 =	sne.s32 s2, $0x0  }
0xa7: {  	s3 =	rddreg [dreg:$0x2];
	[bflag:$0x3] =	sbarrier.arrive $0xFFFF;
	s2 =	simm.s32 @!p0 $0x1C01  }
0xa8: {  	[timem:s3], [sflag:s2] =	dma.local @!p0 [hbm:s0], s1  }
0xa9: {  	s0 =	simm.s32 @!p0 $0x1  }
0xaa: {  	_ =	swait.ge @!p0 [sflag:s0], s1  }
0xab: {  	s1 =	ssub.s32 @!p0 $0x0, s1;
	[sflag:s0] =	ssyncset.done @!p0 $0x0  }
0xac: {  	[sflag:s0] =	ssyncadd.s32 @!p0 s1  }
0xad: {  	[bflag:$0x3] =	sbarrier.arrive $0xFFFF  }
0xae: {  	_ =	shalt  }

</sc_bundles>
